<compile_context>
chip_gen: v7x
topology: tpu7x:2x2x1
jax: 0.10.2.dev20260603
libtpu: 0.0.44.dev20260713+nightly
codegen_flags: <defaults>
</compile_context>

<pallas_src>
import functools

import jax
import jax.numpy as jnp
from jax import lax
from jax.experimental import pallas as pl
from jax.experimental.pallas import tpu as pltpu
from jax.experimental.pallas import tpu_sc as plsc

_BM = 1024
_BK = 2048
_WIN = 2736
_GW = 128


def _argmin_body(z_ref, cb_ref, zsq_ref, esq_ref, out_ref):
    bm, d = z_ref.shape
    k = cb_ref.shape[0]
    zb = z_ref[...]
    zsq = zsq_ref[...]
    best_v = jnp.full((bm, 1), jnp.inf, jnp.float32)
    best_i = jnp.zeros((bm, 1), jnp.int32)
    for c in range(k // _BK):
        k0 = c * _BK
        cbc = cb_ref[pl.ds(k0, _BK), :]
        dot = lax.dot_general(zb, cbc, (((1,), (1,)), ((), ())),
                              preferred_element_type=jnp.float32)
        esq = esq_ref[:, pl.ds(k0, _BK)]
        d2 = (zsq + esq) - 2.0 * dot
        dists = jnp.sqrt(jnp.maximum(d2, 0.0))
        m = jnp.min(dists, axis=1, keepdims=True)
        cols = lax.broadcasted_iota(jnp.int32, (bm, _BK), 1) + k0
        cand = jnp.min(jnp.where(dists == m, cols, jnp.int32(2**30)),
                       axis=1, keepdims=True)
        upd = m < best_v
        best_i = jnp.where(upd, cand, best_i)
        best_v = jnp.where(upd, m, best_v)
    out_ref[...] = best_i


def _argmin_call(z, codebook, z_sq, e_sq):
    n, d = z.shape
    k = codebook.shape[0]
    return pl.pallas_call(
        _argmin_body,
        grid=(n // _BM,),
        in_specs=[
            pl.BlockSpec((_BM, d), lambda i: (i, 0)),
            pl.BlockSpec((k, d), lambda i: (0, 0)),
            pl.BlockSpec((_BM, 1), lambda i: (i, 0)),
            pl.BlockSpec((1, k), lambda i: (0, 0)),
        ],
        out_specs=pl.BlockSpec((_BM, 1), lambda i: (i, 0)),
        out_shape=jax.ShapeDtypeStruct((n, 1), jnp.int32),
    )(z, codebook, z_sq, e_sq)


def _gather_call(codebook, idx_row):
    n = idx_row.shape[1]
    d = codebook.shape[1]
    mesh = plsc.VectorSubcoreMesh(core_axis_name="c", subcore_axis_name="s")
    nunits = 2 * 16
    per = n // nunits

    @functools.partial(
        pl.kernel,
        out_type=jax.ShapeDtypeStruct((n, d), jnp.float32),
        mesh=mesh,
        scratch_types=[
            pltpu.VMEM((1, per), jnp.int32),
            pltpu.VMEM((_GW, d), jnp.float32),
        ],
    )
    def _k(cb_hbm, i_hbm, o_hbm, idx_vmem, buf):
        c = lax.axis_index("c")
        s = lax.axis_index("s")
        u = c * 16 + s
        base = u * per
        pltpu.sync_copy(i_hbm.at[:, pl.ds(base, per)], idx_vmem)
        for w in range(per // _GW):
            pltpu.sync_copy(cb_hbm.at[idx_vmem.at[0, pl.ds(w * _GW, _GW)]], buf)
            pltpu.sync_copy(buf, o_hbm.at[pl.ds(base + w * _GW, _GW), :])

    return _k(codebook, idx_row)


def _loss_body(z_ref, q_ref, o_ref, s_ref):
    zb = z_ref[...]
    qb = q_ref[...]
    diff = qb - zb
    o_ref[...] = zb + diff
    s_ref[...] = jnp.sum(diff * diff).reshape(1, 1)


def _loss_call(z, z_q):
    n, d = z.shape
    return pl.pallas_call(
        _loss_body,
        out_shape=(
            jax.ShapeDtypeStruct((n, d), jnp.float32),
            jax.ShapeDtypeStruct((1, 1), jnp.float32),
        ),
    )(z, z_q)


def kernel(z, codebook):
    n, d = z.shape
    z_sq = jnp.sum(z * z, axis=1, keepdims=True)
    e_sq = jnp.sum(codebook * codebook, axis=1)[None, :]
    idx2 = _argmin_call(z, codebook, z_sq, e_sq)
    encoding_indices = idx2.reshape(n)
    z_q = _gather_call(codebook, idx2.reshape(1, n))
    z_q_st, s = _loss_call(z, z_q)
    m = s[0, 0] / jnp.float32(n * d)
    return (z_q_st, encoding_indices, m * jnp.float32(0.25), m)

# --- scband reference (transcript-rebuilt; emitter-appended) ---
"""Pipeline reference for scband-vector-quantizer-15212774162947 (READ-ONLY COPY).

The authoritative reference and input builder live on the scoring server;
editing this copy changes nothing except your own understanding.
"""

import jax, jax.numpy as jnp
import numpy as np

NUM_EMBEDDINGS = 8192
EMBEDDING_DIM = 256
COMMITMENT_COST = 0.25


def setup_inputs(seed: int = 0) -> dict:
    key = jax.random.key(seed)
    kz, kw = jax.random.split(key)
    z = jax.random.normal(kz, (8192, EMBEDDING_DIM), dtype=jnp.float32)
    bound = 1.0 / NUM_EMBEDDINGS
    codebook = jax.random.uniform(kw, (NUM_EMBEDDINGS, EMBEDDING_DIM), dtype=jnp.float32,
                                  minval=-bound, maxval=bound)
    return {"z": z, "codebook": codebook}


def reference(z, codebook):
    # torch.cdist(z, codebook) (euclidean), computed via expansion
    z_sq = jnp.sum(z * z, axis=1, keepdims=True)            # [N, 1]
    e_sq = jnp.sum(codebook * codebook, axis=1)[None, :]     # [1, K]
    d2 = z_sq + e_sq - 2.0 * (z @ codebook.T)                # [N, K]
    dists = jnp.sqrt(jnp.maximum(d2, 0.0))
    encoding_indices = jnp.argmin(dists, axis=1)             # [N]
    z_q = jnp.take(codebook, encoding_indices, axis=0)       # [N, D]
    commitment_loss = jnp.mean((jax.lax.stop_gradient(z_q) - z) ** 2) * COMMITMENT_COST
    codebook_loss = jnp.mean((jax.lax.stop_gradient(z) - z_q) ** 2)
    z_q_st = z + jax.lax.stop_gradient(z_q - z)
    return (z_q_st, encoding_indices, commitment_loss, codebook_loss)

if __name__ == "__main__":
    import jax
    _d = setup_inputs()
    print(jax.jit(kernel)(*tuple(_d.values())))

</pallas_src>

<mosaic_0001>
#map = affine_map<(d0, d1) -> (0, 0)>
module attributes {stable_mosaic.version = 14 : i64} {
  func.func @_k(%arg0: i32, %arg1: i32, %arg2: memref<8192x256xf32, #tpu.memory_space<hbm>>, %arg3: memref<1x8192xi32, #tpu.memory_space<hbm>>, %arg4: memref<8192x256xf32, #tpu.memory_space<hbm>>, %arg5: memref<1x256xi32, #tpu.memory_space<vmem>>, %arg6: memref<128x256xf32, #tpu.memory_space<vmem>>) attributes {dimension_semantics = [#tpu.dimension_semantics<core_parallel>, #tpu.dimension_semantics<subcore_parallel>], iteration_bounds = array<i64: 2, 16>, scalar_prefetch = 0 : i64, scratch_operands = 2 : i64, tpu.core_type = #tpu.core_type<sc_vector_subcore>, window_params = [{transform_indices = #map}, {transform_indices = #map}, {transform_indices = #map}]} {
    %mul3A = arith.constant 16 : i32
    %mul3A_0 = arith.muli %arg0, %mul3A : i32
    %add3A = arith.addi %mul3A_0, %arg1 : i32
    %mul3A_1 = arith.constant 256 : i32
    %mul3A_2 = arith.muli %add3A, %mul3A_1 : i32
    "tpu.region"() ({
      %run_scoped3A_8 = tpu.sem_alloc : memref<!tpu.dma_semaphore, #tpu.memory_space<semaphore_mem>>
      %dma_start3A = arith.constant 0 : i32
      %dma_start3A_9 = tpu.memref_slice %arg3[%dma_start3A, %mul3A_2] : memref<1x8192xi32, #tpu.memory_space<hbm>> -> memref<1x256xi32, #tpu.memory_space<hbm>>
      %dma_start3A_10 = arith.constant 0 : i32
      %dma_start3A_11 = tpu.memref_slice %arg3[%dma_start3A_10, %mul3A_2] : memref<1x8192xi32, #tpu.memory_space<hbm>> -> memref<1x256xi32, #tpu.memory_space<hbm>>
      tpu.enqueue_dma source(%dma_start3A_11 : memref<1x256xi32, #tpu.memory_space<hbm>>) target(%arg5 : memref<1x256xi32, #tpu.memory_space<vmem>>) target_semaphore(%run_scoped3A_8 : memref<!tpu.dma_semaphore, #tpu.memory_space<semaphore_mem>>)
      %dma_wait3A = arith.constant 0 : i32
      %dma_wait3A_12 = tpu.memref_slice %arg3[%dma_wait3A, %mul3A_2] : memref<1x8192xi32, #tpu.memory_space<hbm>> -> memref<1x256xi32, #tpu.memory_space<hbm>>
      %dma_wait3A_13 = arith.constant 0 : i32
      %dma_wait3A_14 = tpu.memref_slice %arg3[%dma_wait3A_13, %mul3A_2] : memref<1x8192xi32, #tpu.memory_space<hbm>> -> memref<1x256xi32, #tpu.memory_space<hbm>>
      tpu.wait_dma2 semaphore(%run_scoped3A_8 : memref<!tpu.dma_semaphore, #tpu.memory_space<semaphore_mem>>) src(%dma_wait3A_14 : memref<1x256xi32, #tpu.memory_space<hbm>>) dst(%arg5 : memref<1x256xi32, #tpu.memory_space<vmem>>)
      tpu.yield
    }) : () -> ()
    %run_scoped3A = arith.constant 0 : i32
    "tpu.region"() ({
      %run_scoped3A_8 = tpu.sem_alloc : memref<!tpu.dma_semaphore, #tpu.memory_space<semaphore_mem>>
      %dma_start3A = arith.constant 0 : i32
      %dma_start3A_9 = tpu.memref_slice %arg5[%run_scoped3A, %dma_start3A] : memref<1x256xi32, #tpu.memory_space<vmem>> -> memref<1x128xi32, #tpu.memory_space<vmem>>
      %dma_start3A_10 = tpu.memref_squeeze %dma_start3A_9 : memref<1x128xi32, #tpu.memory_space<vmem>> -> memref<128xi32, #tpu.memory_space<vmem>>
      %dma_start3A_11 = arith.constant 0 : i32
      %dma_start3A_12 = arith.constant 0 : i32
      %dma_start3A_13 = tpu.memref_slice %arg2[%dma_start3A_11, %dma_start3A_12] : memref<8192x256xf32, #tpu.memory_space<hbm>> -> memref<8192x256xf32, #tpu.memory_space<hbm>>
      tpu.enqueue_indirect_dma source(%dma_start3A_13 : memref<8192x256xf32, #tpu.memory_space<hbm>>) target(%arg6 : memref<128x256xf32, #tpu.memory_space<vmem>>) offsets(%dma_start3A_10 : memref<128xi32, #tpu.memory_space<vmem>>) semaphore(%run_scoped3A_8 : memref<!tpu.dma_semaphore, #tpu.memory_space<semaphore_mem>>)
      %dma_wait3A = arith.constant 0 : i32
      %dma_wait3A_14 = tpu.memref_slice %arg5[%run_scoped3A, %dma_wait3A] : memref<1x256xi32, #tpu.memory_space<vmem>> -> memref<1x128xi32, #tpu.memory_space<vmem>>
      %dma_wait3A_15 = tpu.memref_squeeze %dma_wait3A_14 : memref<1x128xi32, #tpu.memory_space<vmem>> -> memref<128xi32, #tpu.memory_space<vmem>>
      %dma_wait3A_16 = arith.constant 0 : i32
      %dma_wait3A_17 = arith.constant 0 : i32
      %dma_wait3A_18 = tpu.memref_slice %arg2[%dma_wait3A_16, %dma_wait3A_17] : memref<8192x256xf32, #tpu.memory_space<hbm>> -> memref<8192x256xf32, #tpu.memory_space<hbm>>
      tpu.wait_indirect_dma semaphore(%run_scoped3A_8 : memref<!tpu.dma_semaphore, #tpu.memory_space<semaphore_mem>>) src(%dma_wait3A_18 : memref<8192x256xf32, #tpu.memory_space<hbm>>) dst(%arg6 : memref<128x256xf32, #tpu.memory_space<vmem>>)
      tpu.yield
    }) : () -> ()
    %add3A_3 = arith.constant 0 : i32
    %add3A_4 = arith.addi %mul3A_2, %add3A_3 : i32
    "tpu.region"() ({
      %run_scoped3A_8 = tpu.sem_alloc : memref<!tpu.dma_semaphore, #tpu.memory_space<semaphore_mem>>
      %dma_start3A = arith.constant 0 : i32
      %dma_start3A_9 = tpu.memref_slice %arg4[%add3A_4, %dma_start3A] : memref<8192x256xf32, #tpu.memory_space<hbm>> -> memref<128x256xf32, #tpu.memory_space<hbm>>
      %dma_start3A_10 = arith.constant 0 : i32
      %dma_start3A_11 = tpu.memref_slice %arg4[%add3A_4, %dma_start3A_10] : memref<8192x256xf32, #tpu.memory_space<hbm>> -> memref<128x256xf32, #tpu.memory_space<hbm>>
      tpu.enqueue_dma source(%arg6 : memref<128x256xf32, #tpu.memory_space<vmem>>) target(%dma_start3A_11 : memref<128x256xf32, #tpu.memory_space<hbm>>) target_semaphore(%run_scoped3A_8 : memref<!tpu.dma_semaphore, #tpu.memory_space<semaphore_mem>>)
      %dma_wait3A = arith.constant 0 : i32
      %dma_wait3A_12 = tpu.memref_slice %arg4[%add3A_4, %dma_wait3A] : memref<8192x256xf32, #tpu.memory_space<hbm>> -> memref<128x256xf32, #tpu.memory_space<hbm>>
      %dma_wait3A_13 = arith.constant 0 : i32
      %dma_wait3A_14 = tpu.memref_slice %arg4[%add3A_4, %dma_wait3A_13] : memref<8192x256xf32, #tpu.memory_space<hbm>> -> memref<128x256xf32, #tpu.memory_space<hbm>>
      tpu.wait_dma2 semaphore(%run_scoped3A_8 : memref<!tpu.dma_semaphore, #tpu.memory_space<semaphore_mem>>) src(%arg6 : memref<128x256xf32, #tpu.memory_space<vmem>>) dst(%dma_wait3A_14 : memref<128x256xf32, #tpu.memory_space<hbm>>)
      tpu.yield
    }) : () -> ()
    %run_scoped3A_5 = arith.constant 0 : i32
    "tpu.region"() ({
      %run_scoped3A_8 = tpu.sem_alloc : memref<!tpu.dma_semaphore, #tpu.memory_space<semaphore_mem>>
      %dma_start3A = arith.constant 128 : i32
      %dma_start3A_9 = tpu.memref_slice %arg5[%run_scoped3A_5, %dma_start3A] : memref<1x256xi32, #tpu.memory_space<vmem>> -> memref<1x128xi32, #tpu.memory_space<vmem>>
      %dma_start3A_10 = tpu.memref_squeeze %dma_start3A_9 : memref<1x128xi32, #tpu.memory_space<vmem>> -> memref<128xi32, #tpu.memory_space<vmem>>
      %dma_start3A_11 = arith.constant 0 : i32
      %dma_start3A_12 = arith.constant 0 : i32
      %dma_start3A_13 = tpu.memref_slice %arg2[%dma_start3A_11, %dma_start3A_12] : memref<8192x256xf32, #tpu.memory_space<hbm>> -> memref<8192x256xf32, #tpu.memory_space<hbm>>
      tpu.enqueue_indirect_dma source(%dma_start3A_13 : memref<8192x256xf32, #tpu.memory_space<hbm>>) target(%arg6 : memref<128x256xf32, #tpu.memory_space<vmem>>) offsets(%dma_start3A_10 : memref<128xi32, #tpu.memory_space<vmem>>) semaphore(%run_scoped3A_8 : memref<!tpu.dma_semaphore, #tpu.memory_space<semaphore_mem>>)
      %dma_wait3A = arith.constant 128 : i32
      %dma_wait3A_14 = tpu.memref_slice %arg5[%run_scoped3A_5, %dma_wait3A] : memref<1x256xi32, #tpu.memory_space<vmem>> -> memref<1x128xi32, #tpu.memory_space<vmem>>
      %dma_wait3A_15 = tpu.memref_squeeze %dma_wait3A_14 : memref<1x128xi32, #tpu.memory_space<vmem>> -> memref<128xi32, #tpu.memory_space<vmem>>
      %dma_wait3A_16 = arith.constant 0 : i32
      %dma_wait3A_17 = arith.constant 0 : i32
      %dma_wait3A_18 = tpu.memref_slice %arg2[%dma_wait3A_16, %dma_wait3A_17] : memref<8192x256xf32, #tpu.memory_space<hbm>> -> memref<8192x256xf32, #tpu.memory_space<hbm>>
      tpu.wait_indirect_dma semaphore(%run_scoped3A_8 : memref<!tpu.dma_semaphore, #tpu.memory_space<semaphore_mem>>) src(%dma_wait3A_18 : memref<8192x256xf32, #tpu.memory_space<hbm>>) dst(%arg6 : memref<128x256xf32, #tpu.memory_space<vmem>>)
      tpu.yield
    }) : () -> ()
    %add3A_6 = arith.constant 128 : i32
    %add3A_7 = arith.addi %mul3A_2, %add3A_6 : i32
    "tpu.region"() ({
      %run_scoped3A_8 = tpu.sem_alloc : memref<!tpu.dma_semaphore, #tpu.memory_space<semaphore_mem>>
      %dma_start3A = arith.constant 0 : i32
      %dma_start3A_9 = tpu.memref_slice %arg4[%add3A_7, %dma_start3A] : memref<8192x256xf32, #tpu.memory_space<hbm>> -> memref<128x256xf32, #tpu.memory_space<hbm>>
      %dma_start3A_10 = arith.constant 0 : i32
      %dma_start3A_11 = tpu.memref_slice %arg4[%add3A_7, %dma_start3A_10] : memref<8192x256xf32, #tpu.memory_space<hbm>> -> memref<128x256xf32, #tpu.memory_space<hbm>>
      tpu.enqueue_dma source(%arg6 : memref<128x256xf32, #tpu.memory_space<vmem>>) target(%dma_start3A_11 : memref<128x256xf32, #tpu.memory_space<hbm>>) target_semaphore(%run_scoped3A_8 : memref<!tpu.dma_semaphore, #tpu.memory_space<semaphore_mem>>)
      %dma_wait3A = arith.constant 0 : i32
      %dma_wait3A_12 = tpu.memref_slice %arg4[%add3A_7, %dma_wait3A] : memref<8192x256xf32, #tpu.memory_space<hbm>> -> memref<128x256xf32, #tpu.memory_space<hbm>>
      %dma_wait3A_13 = arith.constant 0 : i32
      %dma_wait3A_14 = tpu.memref_slice %arg4[%add3A_7, %dma_wait3A_13] : memref<8192x256xf32, #tpu.memory_space<hbm>> -> memref<128x256xf32, #tpu.memory_space<hbm>>
      tpu.wait_dma2 semaphore(%run_scoped3A_8 : memref<!tpu.dma_semaphore, #tpu.memory_space<semaphore_mem>>) src(%arg6 : memref<128x256xf32, #tpu.memory_space<vmem>>) dst(%dma_wait3A_14 : memref<128x256xf32, #tpu.memory_space<hbm>>)
      tpu.yield
    }) : () -> ()
    return
  }
}

module attributes {stable_mosaic.version = 14 : i64} {
  func.func @_argmin_body(%arg0: i32, %arg1: memref<1024x256xf32, #tpu.memory_space<vmem>>, %arg2: memref<8192x256xf32, #tpu.memory_space<vmem>>, %arg3: memref<1024x1xf32, #tpu.memory_space<vmem>>, %arg4: memref<1x8192xf32, #tpu.memory_space<vmem>>, %arg5: memref<1024x1xi32, #tpu.memory_space<vmem>>) attributes {dimension_semantics = [#tpu.dimension_semantics<arbitrary>], iteration_bounds = array<i64: 8>, scalar_prefetch = 0 : i64, scratch_operands = 0 : i64, tpu.core_type = #tpu.core_type<tc>, window_params = [{transform_indices = @transform_0, window_bounds = array<i64: 1024, 256>}, {pipeline_mode = #tpu.pipeline_mode<synchronous>, transform_indices = @transform_1, window_bounds = array<i64: 8192, 256>}, {transform_indices = @transform_2, window_bounds = array<i64: 1024, 1>}, {pipeline_mode = #tpu.pipeline_mode<synchronous>, transform_indices = @transform_3, window_bounds = array<i64: 1, 8192>}, {transform_indices = @transform_4, window_bounds = array<i64: 1024, 1>}]} {
    %get3A = arith.constant 0 : index
    %get3A_0 = arith.constant 0 : index
    %get3A_1 = vector.load %arg1[%get3A, %get3A_0] : memref<1024x256xf32, #tpu.memory_space<vmem>>, vector<1024x256xf32>
    %get3A_2 = arith.constant 0 : index
    %get3A_3 = arith.constant 0 : index
    %get3A_4 = vector.load %arg3[%get3A_2, %get3A_3] : memref<1024x1xf32, #tpu.memory_space<vmem>>, vector<1024x1xf32>
    %broadcast_in_dim3A = arith.constant 0x7F800000 : f32
    %broadcast_in_dim3A_5 = vector.broadcast %broadcast_in_dim3A : f32 to vector<1024x1xf32>
    %broadcast_in_dim3A_6 = arith.constant 0 : i32
    %broadcast_in_dim3A_7 = vector.broadcast %broadcast_in_dim3A_6 : i32 to vector<1024x1xi32>
    %get3A_8 = arith.constant 0 : index
    %get3A_9 = arith.constant 0 : index
    %get3A_10 = vector.load %arg2[%get3A_8, %get3A_9] : memref<8192x256xf32, #tpu.memory_space<vmem>>, vector<2048x256xf32>
    %dot_general3A = arith.constant dense<0.000000e+00> : vector<1024x2048xf32>
    %dot_general3A_11 = tpu.matmul %get3A_1, %get3A_10, %dot_general3A {dimension_numbers = #tpu.dot_dimension_numbers<[1], [1], [0], [0], [0, 0, 1, 0], [], []>, transpose_lhs_hint = false} : vector<1024x256xf32>, vector<2048x256xf32>, vector<1024x2048xf32> -> vector<1024x2048xf32>
    %get3A_12 = arith.constant 0 : index
    %get3A_13 = arith.constant 0 : index
    %get3A_14 = vector.load %arg4[%get3A_12, %get3A_13] : memref<1x8192xf32, #tpu.memory_space<vmem>>, vector<1x2048xf32>
    %add3A = vector.broadcast %get3A_4 : vector<1024x1xf32> to vector<1024x2048xf32>
    %add3A_15 = vector.broadcast %get3A_14 : vector<1x2048xf32> to vector<1024x2048xf32>
    %add3A_16 = arith.addf %add3A, %add3A_15 : vector<1024x2048xf32>
    %mul3A = arith.constant 2.000000e+00 : f32
    %mul3A_17 = vector.broadcast %mul3A : f32 to vector<1024x2048xf32>
    %mul3A_18 = arith.mulf %mul3A_17, %dot_general3A_11 : vector<1024x2048xf32>
    %sub3A = arith.subf %add3A_16, %mul3A_18 : vector<1024x2048xf32>
    %max3A = arith.constant 0.000000e+00 : f32
    %max3A_19 = vector.broadcast %max3A : f32 to vector<1024x2048xf32>
    %max3A_20 = arith.maximumf %sub3A, %max3A_19 : vector<1024x2048xf32>
    %sqrt3A = math.sqrt %max3A_20 : vector<1024x2048xf32>
    %reduce_min3A = arith.constant dense<0x7F800000> : vector<1024xf32>
    %reduce_min3A_21 = vector.multi_reduction <minimumf>, %sqrt3A, %reduce_min3A [1] : vector<1024x2048xf32> to vector<1024xf32>
    %broadcast_in_dim3A_22 = vector.shape_cast %reduce_min3A_21 : vector<1024xf32> to vector<1024x1xf32>
    %iota3A = tpu.iota {dimensions = array<i32: 1>} : vector<1024x2048xi32>
    %add3A_23 = arith.constant 0 : i32
    %add3A_24 = vector.broadcast %add3A_23 : i32 to vector<1024x2048xi32>
    %add3A_25 = arith.addi %iota3A, %add3A_24 : vector<1024x2048xi32>
    %eq3A = vector.broadcast %broadcast_in_dim3A_22 : vector<1024x1xf32> to vector<1024x2048xf32>
    %eq3A_26 = arith.cmpf oeq, %sqrt3A, %eq3A : vector<1024x2048xf32>
    %jit3A = arith.constant 1073741824 : i32
    %broadcast_in_dim3A_27 = vector.broadcast %jit3A : i32 to vector<1024x2048xi32>
    %select_n3A = arith.select %eq3A_26, %add3A_25, %broadcast_in_dim3A_27 : vector<1024x2048xi1>, vector<1024x2048xi32>
    %reduce_min3A_28 = arith.constant dense<2147483647> : vector<1024xi32>
    %reduce_min3A_29 = vector.multi_reduction <minsi>, %select_n3A, %reduce_min3A_28 [1] : vector<1024x2048xi32> to vector<1024xi32>
    %broadcast_in_dim3A_30 = vector.shape_cast %reduce_min3A_29 : vector<1024xi32> to vector<1024x1xi32>
    %lt3A = arith.cmpf olt, %broadcast_in_dim3A_22, %broadcast_in_dim3A_5 : vector<1024x1xf32>
    %select_n3A_31 = arith.select %lt3A, %broadcast_in_dim3A_30, %broadcast_in_dim3A_7 : vector<1024x1xi1>, vector<1024x1xi32>
    %select_n3A_32 = arith.select %lt3A, %broadcast_in_dim3A_22, %broadcast_in_dim3A_5 : vector<1024x1xi1>, vector<1024x1xf32>
    %get3A_33 = arith.constant 2048 : index
    %get3A_34 = arith.constant 0 : index
    %get3A_35 = vector.load %arg2[%get3A_33, %get3A_34] : memref<8192x256xf32, #tpu.memory_space<vmem>>, vector<2048x256xf32>
    %dot_general3A_36 = arith.constant dense<0.000000e+00> : vector<1024x2048xf32>
    %dot_general3A_37 = tpu.matmul %get3A_1, %get3A_35, %dot_general3A_36 {dimension_numbers = #tpu.dot_dimension_numbers<[1], [1], [0], [0], [0, 0, 1, 0], [], []>, transpose_lhs_hint = false} : vector<1024x256xf32>, vector<2048x256xf32>, vector<1024x2048xf32> -> vector<1024x2048xf32>
    %get3A_38 = arith.constant 0 : index
    %get3A_39 = arith.constant 2048 : index
    %get3A_40 = vector.load %arg4[%get3A_38, %get3A_39] : memref<1x8192xf32, #tpu.memory_space<vmem>>, vector<1x2048xf32>
    %add3A_41 = vector.broadcast %get3A_4 : vector<1024x1xf32> to vector<1024x2048xf32>
    %add3A_42 = vector.broadcast %get3A_40 : vector<1x2048xf32> to vector<1024x2048xf32>
    %add3A_43 = arith.addf %add3A_41, %add3A_42 : vector<1024x2048xf32>
    %mul3A_44 = arith.constant 2.000000e+00 : f32
    %mul3A_45 = vector.broadcast %mul3A_44 : f32 to vector<1024x2048xf32>
    %mul3A_46 = arith.mulf %mul3A_45, %dot_general3A_37 : vector<1024x2048xf32>
    %sub3A_47 = arith.subf %add3A_43, %mul3A_46 : vector<1024x2048xf32>
    %max3A_48 = arith.constant 0.000000e+00 : f32
    %max3A_49 = vector.broadcast %max3A_48 : f32 to vector<1024x2048xf32>
    %max3A_50 = arith.maximumf %sub3A_47, %max3A_49 : vector<1024x2048xf32>
    %sqrt3A_51 = math.sqrt %max3A_50 : vector<1024x2048xf32>
    %reduce_min3A_52 = arith.constant dense<0x7F800000> : vector<1024xf32>
    %reduce_min3A_53 = vector.multi_reduction <minimumf>, %sqrt3A_51, %reduce_min3A_52 [1] : vector<1024x2048xf32> to vector<1024xf32>
    %broadcast_in_dim3A_54 = vector.shape_cast %reduce_min3A_53 : vector<1024xf32> to vector<1024x1xf32>
    %iota3A_55 = tpu.iota {dimensions = array<i32: 1>} : vector<1024x2048xi32>
    %add3A_56 = arith.constant 2048 : i32
    %add3A_57 = vector.broadcast %add3A_56 : i32 to vector<1024x2048xi32>
    %add3A_58 = arith.addi %iota3A_55, %add3A_57 : vector<1024x2048xi32>
    %eq3A_59 = vector.broadcast %broadcast_in_dim3A_54 : vector<1024x1xf32> to vector<1024x2048xf32>
    %eq3A_60 = arith.cmpf oeq, %sqrt3A_51, %eq3A_59 : vector<1024x2048xf32>
    %jit3A_61 = arith.constant 1073741824 : i32
    %broadcast_in_dim3A_62 = vector.broadcast %jit3A_61 : i32 to vector<1024x2048xi32>
    %select_n3A_63 = arith.select %eq3A_60, %add3A_58, %broadcast_in_dim3A_62 : vector<1024x2048xi1>, vector<1024x2048xi32>
    %reduce_min3A_64 = arith.constant dense<2147483647> : vector<1024xi32>
    %reduce_min3A_65 = vector.multi_reduction <minsi>, %select_n3A_63, %reduce_min3A_64 [1] : vector<1024x2048xi32> to vector<1024xi32>
    %broadcast_in_dim3A_66 = vector.shape_cast %reduce_min3A_65 : vector<1024xi32> to vector<1024x1xi32>
    %lt3A_67 = arith.cmpf olt, %broadcast_in_dim3A_54, %select_n3A_32 : vector<1024x1xf32>
    %select_n3A_68 = arith.select %lt3A_67, %broadcast_in_dim3A_66, %select_n3A_31 : vector<1024x1xi1>, vector<1024x1xi32>
    %select_n3A_69 = arith.select %lt3A_67, %broadcast_in_dim3A_54, %select_n3A_32 : vector<1024x1xi1>, vector<1024x1xf32>
    %get3A_70 = arith.constant 4096 : index
    %get3A_71 = arith.constant 0 : index
    %get3A_72 = vector.load %arg2[%get3A_70, %get3A_71] : memref<8192x256xf32, #tpu.memory_space<vmem>>, vector<2048x256xf32>
    %dot_general3A_73 = arith.constant dense<0.000000e+00> : vector<1024x2048xf32>
    %dot_general3A_74 = tpu.matmul %get3A_1, %get3A_72, %dot_general3A_73 {dimension_numbers = #tpu.dot_dimension_numbers<[1], [1], [0], [0], [0, 0, 1, 0], [], []>, transpose_lhs_hint = false} : vector<1024x256xf32>, vector<2048x256xf32>, vector<1024x2048xf32> -> vector<1024x2048xf32>
    %get3A_75 = arith.constant 0 : index
    %get3A_76 = arith.constant 4096 : index
    %get3A_77 = vector.load %arg4[%get3A_75, %get3A_76] : memref<1x8192xf32, #tpu.memory_space<vmem>>, vector<1x2048xf32>
    %add3A_78 = vector.broadcast %get3A_4 : vector<1024x1xf32> to vector<1024x2048xf32>
    %add3A_79 = vector.broadcast %get3A_77 : vector<1x2048xf32> to vector<1024x2048xf32>
    %add3A_80 = arith.addf %add3A_78, %add3A_79 : vector<1024x2048xf32>
    %mul3A_81 = arith.constant 2.000000e+00 : f32
    %mul3A_82 = vector.broadcast %mul3A_81 : f32 to vector<1024x2048xf32>
    %mul3A_83 = arith.mulf %mul3A_82, %dot_general3A_74 : vector<1024x2048xf32>
    %sub3A_84 = arith.subf %add3A_80, %mul3A_83 : vector<1024x2048xf32>
    %max3A_85 = arith.constant 0.000000e+00 : f32
    %max3A_86 = vector.broadcast %max3A_85 : f32 to vector<1024x2048xf32>
    %max3A_87 = arith.maximumf %sub3A_84, %max3A_86 : vector<1024x2048xf32>
    %sqrt3A_88 = math.sqrt %max3A_87 : vector<1024x2048xf32>
    %reduce_min3A_89 = arith.constant dense<0x7F800000> : vector<1024xf32>
    %reduce_min3A_90 = vector.multi_reduction <minimumf>, %sqrt3A_88, %reduce_min3A_89 [1] : vector<1024x2048xf32> to vector<1024xf32>
    %broadcast_in_dim3A_91 = vector.shape_cast %reduce_min3A_90 : vector<1024xf32> to vector<1024x1xf32>
    %iota3A_92 = tpu.iota {dimensions = array<i32: 1>} : vector<1024x2048xi32>
    %add3A_93 = arith.constant 4096 : i32
    %add3A_94 = vector.broadcast %add3A_93 : i32 to vector<1024x2048xi32>
    %add3A_95 = arith.addi %iota3A_92, %add3A_94 : vector<1024x2048xi32>
    %eq3A_96 = vector.broadcast %broadcast_in_dim3A_91 : vector<1024x1xf32> to vector<1024x2048xf32>
    %eq3A_97 = arith.cmpf oeq, %sqrt3A_88, %eq3A_96 : vector<1024x2048xf32>
    %jit3A_98 = arith.constant 1073741824 : i32
    %broadcast_in_dim3A_99 = vector.broadcast %jit3A_98 : i32 to vector<1024x2048xi32>
    %select_n3A_100 = arith.select %eq3A_97, %add3A_95, %broadcast_in_dim3A_99 : vector<1024x2048xi1>, vector<1024x2048xi32>
    %reduce_min3A_101 = arith.constant dense<2147483647> : vector<1024xi32>
    %reduce_min3A_102 = vector.multi_reduction <minsi>, %select_n3A_100, %reduce_min3A_101 [1] : vector<1024x2048xi32> to vector<1024xi32>
    %broadcast_in_dim3A_103 = vector.shape_cast %reduce_min3A_102 : vector<1024xi32> to vector<1024x1xi32>
    %lt3A_104 = arith.cmpf olt, %broadcast_in_dim3A_91, %select_n3A_69 : vector<1024x1xf32>
    %select_n3A_105 = arith.select %lt3A_104, %broadcast_in_dim3A_103, %select_n3A_68 : vector<1024x1xi1>, vector<1024x1xi32>
    %select_n3A_106 = arith.select %lt3A_104, %broadcast_in_dim3A_91, %select_n3A_69 : vector<1024x1xi1>, vector<1024x1xf32>
    %get3A_107 = arith.constant 6144 : index
    %get3A_108 = arith.constant 0 : index
    %get3A_109 = vector.load %arg2[%get3A_107, %get3A_108] : memref<8192x256xf32, #tpu.memory_space<vmem>>, vector<2048x256xf32>
    %dot_general3A_110 = arith.constant dense<0.000000e+00> : vector<1024x2048xf32>
    %dot_general3A_111 = tpu.matmul %get3A_1, %get3A_109, %dot_general3A_110 {dimension_numbers = #tpu.dot_dimension_numbers<[1], [1], [0], [0], [0, 0, 1, 0], [], []>, transpose_lhs_hint = false} : vector<1024x256xf32>, vector<2048x256xf32>, vector<1024x2048xf32> -> vector<1024x2048xf32>
    %get3A_112 = arith.constant 0 : index
    %get3A_113 = arith.constant 6144 : index
    %get3A_114 = vector.load %arg4[%get3A_112, %get3A_113] : memref<1x8192xf32, #tpu.memory_space<vmem>>, vector<1x2048xf32>
    %add3A_115 = vector.broadcast %get3A_4 : vector<1024x1xf32> to vector<1024x2048xf32>
    %add3A_116 = vector.broadcast %get3A_114 : vector<1x2048xf32> to vector<1024x2048xf32>
    %add3A_117 = arith.addf %add3A_115, %add3A_116 : vector<1024x2048xf32>
    %mul3A_118 = arith.constant 2.000000e+00 : f32
    %mul3A_119 = vector.broadcast %mul3A_118 : f32 to vector<1024x2048xf32>
    %mul3A_120 = arith.mulf %mul3A_119, %dot_general3A_111 : vector<1024x2048xf32>
    %sub3A_121 = arith.subf %add3A_117, %mul3A_120 : vector<1024x2048xf32>
    %max3A_122 = arith.constant 0.000000e+00 : f32
    %max3A_123 = vector.broadcast %max3A_122 : f32 to vector<1024x2048xf32>
    %max3A_124 = arith.maximumf %sub3A_121, %max3A_123 : vector<1024x2048xf32>
    %sqrt3A_125 = math.sqrt %max3A_124 : vector<1024x2048xf32>
    %reduce_min3A_126 = arith.constant dense<0x7F800000> : vector<1024xf32>
    %reduce_min3A_127 = vector.multi_reduction <minimumf>, %sqrt3A_125, %reduce_min3A_126 [1] : vector<1024x2048xf32> to vector<1024xf32>
    %broadcast_in_dim3A_128 = vector.shape_cast %reduce_min3A_127 : vector<1024xf32> to vector<1024x1xf32>
    %iota3A_129 = tpu.iota {dimensions = array<i32: 1>} : vector<1024x2048xi32>
    %add3A_130 = arith.constant 6144 : i32
    %add3A_131 = vector.broadcast %add3A_130 : i32 to vector<1024x2048xi32>
    %add3A_132 = arith.addi %iota3A_129, %add3A_131 : vector<1024x2048xi32>
    %eq3A_133 = vector.broadcast %broadcast_in_dim3A_128 : vector<1024x1xf32> to vector<1024x2048xf32>
    %eq3A_134 = arith.cmpf oeq, %sqrt3A_125, %eq3A_133 : vector<1024x2048xf32>
    %jit3A_135 = arith.constant 1073741824 : i32
    %broadcast_in_dim3A_136 = vector.broadcast %jit3A_135 : i32 to vector<1024x2048xi32>
    %select_n3A_137 = arith.select %eq3A_134, %add3A_132, %broadcast_in_dim3A_136 : vector<1024x2048xi1>, vector<1024x2048xi32>
    %reduce_min3A_138 = arith.constant dense<2147483647> : vector<1024xi32>
    %reduce_min3A_139 = vector.multi_reduction <minsi>, %select_n3A_137, %reduce_min3A_138 [1] : vector<1024x2048xi32> to vector<1024xi32>
    %broadcast_in_dim3A_140 = vector.shape_cast %reduce_min3A_139 : vector<1024xi32> to vector<1024x1xi32>
    %lt3A_141 = arith.cmpf olt, %broadcast_in_dim3A_128, %select_n3A_106 : vector<1024x1xf32>
    %select_n3A_142 = arith.select %lt3A_141, %broadcast_in_dim3A_140, %select_n3A_105 : vector<1024x1xi1>, vector<1024x1xi32>
    %swap3A = arith.constant 0 : index
    %swap3A_143 = arith.constant 0 : index
    %swap3A_144 = vector.load %arg5[%swap3A, %swap3A_143] : memref<1024x1xi32, #tpu.memory_space<vmem>>, vector<1024x1xi32>
    tpu.vector_store %arg5[%swap3A, %swap3A_143], %select_n3A_142 {strides = array<i32>} : memref<1024x1xi32, #tpu.memory_space<vmem>>, vector<1024x1xi32>,
    return
  }
  func.func @transform_0(%arg0: i32) -> (i32, i32) {
    %c0_i32 = arith.constant 0 : i32
    %c0_i32_0 = arith.constant 0 : i32
    return %arg0, %c0_i32 : i32, i32
  }
  func.func @transform_1(%arg0: i32) -> (i32, i32) {
    %c0_i32 = arith.constant 0 : i32
    %c0_i32_0 = arith.constant 0 : i32
    %c0_i32_1 = arith.constant 0 : i32
    return %c0_i32, %c0_i32_0 : i32, i32
  }
  func.func @transform_2(%arg0: i32) -> (i32, i32) {
    %c0_i32 = arith.constant 0 : i32
    %c0_i32_0 = arith.constant 0 : i32
    return %arg0, %c0_i32 : i32, i32
  }
  func.func @transform_3(%arg0: i32) -> (i32, i32) {
    %c0_i32 = arith.constant 0 : i32
    %c0_i32_0 = arith.constant 0 : i32
    %c0_i32_1 = arith.constant 0 : i32
    return %c0_i32, %c0_i32_0 : i32, i32
  }
  func.func @transform_4(%arg0: i32) -> (i32, i32) {
    %c0_i32 = arith.constant 0 : i32
    %c0_i32_0 = arith.constant 0 : i32
    return %arg0, %c0_i32 : i32, i32
  }
}

module attributes {stable_mosaic.version = 14 : i64} {
  func.func @_loss_body(%arg0: memref<8192x256xf32, #tpu.memory_space<vmem>>, %arg1: memref<8192x256xf32, #tpu.memory_space<vmem>>, %arg2: memref<8192x256xf32, #tpu.memory_space<vmem>>, %arg3: memref<1x1xf32, #tpu.memory_space<vmem>>) attributes {dimension_semantics = [], scalar_prefetch = 0 : i64, scratch_operands = 0 : i64, tpu.core_type = #tpu.core_type<tc>} {
    %get3A = arith.constant 0 : index
    %get3A_0 = arith.constant 0 : index
    %get3A_1 = vector.load %arg0[%get3A, %get3A_0] : memref<8192x256xf32, #tpu.memory_space<vmem>>, vector<8192x256xf32>
    %get3A_2 = arith.constant 0 : index
    %get3A_3 = arith.constant 0 : index
    %get3A_4 = vector.load %arg1[%get3A_2, %get3A_3] : memref<8192x256xf32, #tpu.memory_space<vmem>>, vector<8192x256xf32>
    %sub3A = arith.subf %get3A_4, %get3A_1 : vector<8192x256xf32>
    %add3A = arith.addf %get3A_1, %sub3A : vector<8192x256xf32>
    %swap3A = arith.constant 0 : index
    %swap3A_5 = arith.constant 0 : index
    %swap3A_6 = vector.load %arg2[%swap3A, %swap3A_5] : memref<8192x256xf32, #tpu.memory_space<vmem>>, vector<8192x256xf32>
    tpu.vector_store %arg2[%swap3A, %swap3A_5], %add3A {strides = array<i32>} : memref<8192x256xf32, #tpu.memory_space<vmem>>, vector<8192x256xf32>,
    %mul3A = arith.mulf %sub3A, %sub3A : vector<8192x256xf32>
    %reduce_sum3A = vector.shape_cast %mul3A : vector<8192x256xf32> to vector<1x8192x256xf32>
    %reduce_sum3A_7 = arith.constant dense<0.000000e+00> : vector<1xf32>
    %reduce_sum3A_8 = vector.multi_reduction <add>, %reduce_sum3A, %reduce_sum3A_7 [1, 2] : vector<1x8192x256xf32> to vector<1xf32>
    %reduce_sum3A_9 = vector.shape_cast %reduce_sum3A_8 : vector<1xf32> to vector<1x1x1xf32>
    %reduce_sum3A_10 = vector.extract %reduce_sum3A_9[0, 0, 0] : f32 from vector<1x1x1xf32>
    %reshape3A = vector.broadcast %reduce_sum3A_10 : f32 to vector<1x1xf32>
    %swap3A_11 = arith.constant 0 : index
    %swap3A_12 = arith.constant 0 : index
    %swap3A_13 = vector.load %arg3[%swap3A_11, %swap3A_12] : memref<1x1xf32, #tpu.memory_space<vmem>>, vector<1x1xf32>
    tpu.vector_store %arg3[%swap3A_11, %swap3A_12], %reshape3A {strides = array<i32>} : memref<1x1xf32, #tpu.memory_space<vmem>>, vector<1x1xf32>,
    return
  }
}

</mosaic_0001>

<sc_bundles>
// kernel: kernel.5.cloned.1.call-start
scs
__scs_entry_jumppad:
0x0: {  	(pc) =	sbr.rel $0x88, $3  }
0x1: {  	(tag) =	ssettag $0x0;
	lr =	simm.s32 $0x1  }
0x2: {  	[smem:$0x3F9F] =	sst lr;
	_ =	strace $0xD0000000  }
0x3: {  	_ = 	snop  }
0x4: {  	_ = 	snop  }
0x5: {  	_ = 	snop  }
0x6: {  	_ = 	snop  }
0x7: {  	_ = 	snop  }
__scs_overlays_trampoline_lowered:
0x8: {  	[smem:$0x3FAE] =	sst s0  }
0x9: {  	[smem:$0x3FAF] =	sst s1  }
0xa: {  	[smem:$0x3FB0] =	sst s2  }
0xb: {  	[smem:$0x3FB1] =	sst s3  }
0xc: {  	[smem:$0x3FB2] =	sst s4  }
0xd: {  	[smem:$0x3FB3] =	sst s5  }
0xe: {  	[smem:$0x3FB4] =	sst s6  }
0xf: {  	[smem:$0x3FB5] =	sst s7  }
0x10: {  	[smem:$0x3FB6] =	sst s8  }
0x11: {  	[smem:$0x3FB7] =	sst s9;
	s0 =	simm.s32 @!p0 $0x0  }
0x12: {  	s1 =	sld [smem:$0x3F9D];
	s0 =	simm.s32 @p0 $0x1  }
0x13: {  	[smem:$0x3FB8] =	sst s0;
	s0 =	simm.s32 @!p1 $0x0  }
0x14: {  	s2 =	sld [smem:$0x3F9C];
	s0 =	simm.s32 @p1 $0x1  }
0x15: {  	[smem:$0x3FB9] =	sst s0;
	s0 =	simm.s32 @!p2 $0x0  }
0x16: {  	s3 =	sld [smem:$0x3FDB];
	s0 =	simm.s32 @p2 $0x1  }
0x17: {  	s4 =	simm.s32 $0x1BF5;
	[smem:$0x3FBB] =	sst s0  }
0x18: {  	s0 =	sld [smem:$0x3F9E];
	_ =	swait.ge [sflag:s4], $0x0  }
0x19: {  	s7 =	sld [smem:$0x3F9F]  }
0x1a: {  	s8 =	sadd.s32 $0xFFFFE003, lr  }
0x1b: {  	s9 =	sadd.s32 $0xFFFFFEF7, lr;
	s5 =	simm.s32 $0xFFFFFFFF;
	p2 =	slt.u32 s8, $0xFFFFF086  }
0x1c: {  	p1 =	slt.u32 s9, $0xF7A;
	s5 =	simm.s32 @!p2 $0x0  }
0x1d: {  	s5 =	simm.s32 @p1 $0x1;
	p0 =	seq.s32 s7, s2  }
0x1e: {  	s7 =	smul.u32 @!p0 $0xF7A, s2;
	p2 =	seq.s32 @!p0 s5, $0x0  }
0x1f: {  	s9 =	smul.u32 $0xF7A, s1;
	s8 =	simm.s32 @!p0 $0x1BF5;
	p2 =	por !p2, p0  }
0x20: {  	[sflag:s8] =	ssyncset.s32 @!p0 $0xFFFFF086;
	s6 =	sadd.s32 @!p0 s3, s7;
	s7 =	simm.s32 @!p0 $0x108  }
0x21: {  	s3 =	sadd.s32 s3, s9;
	s6 =	sadd.s32 @!p0 $0x88, s6;
	s7 =	simm.s32 @p2 $0x1082  }
0x22: {  	[simem:s7], [sflag:s8] =	dma.local @!p0 [hbm:s6], $0xF7A  }
0x23: {  	s9 =	sor.u32 $0xD0000000, s2;
	s6 =	simm.s32 $0x108;
	_ =	swait.ge @!p0 [sflag:s8], $0x0  }
0x24: {  	s3 =	sadd.s32 $0x88, s3;
	s6 =	simm.s32 @!p1 $0x1082;
	[sflag:s4] =	ssyncset.s32 $0xFFFFF086  }
0x25: {  	[simem:s6], [sflag:s4] =	dma.local [hbm:s3], $0xF7A  }
0x26: {  	[smem:$0x3F9F] =	sst s1;
	(tag) =	ssettag s2;
	_ =	strace s9  }
0x27: {  	s1 =	sld [smem:$0x3FAF]  }
0x28: {  	s2 =	sld [smem:$0x3FB0]  }
0x29: {  	s4 =	sld [smem:$0x3FB2]  }
0x2a: {  	p0 =	seq.s32 s5, $0x0;
	s5 =	sld [smem:$0x3FB3]  }
0x2b: {  	s6 =	sld [smem:$0x3FB4]  }
0x2c: {  	s7 =	sld [smem:$0x3FB5]  }
0x2d: {  	s3 =	simm.s32 $0x108;
	s8 =	sld [smem:$0x3FB6]  }
0x2e: {  	s3 =	simm.s32 @!p0 $0x1082;
	s9 =	sld [smem:$0x3FB7]  }
0x2f: {  	lr =	sadd.s32 s0, s3;
	s0 =	sld [smem:$0x3FAE]  }
0x30: {  	s3 =	sld [smem:$0x3FB1]  }
0x31: {  	[smem:$0x3FBA] =	sst s10  }
0x32: {  	s10 =	sld [smem:$0x3FB8];
	_ =	sdelay $0x3  }
0x33: {  	p0 =	seq.s32 s10, $0x1;
	s10 =	sld [smem:$0x3FBA];
	_ =	sdelay $0x3  }
0x34: {  	[smem:$0x3FBA] =	sst s10  }
0x35: {  	s10 =	sld [smem:$0x3FB9];
	_ =	sdelay $0x3  }
0x36: {  	p1 =	seq.s32 s10, $0x1;
	s10 =	sld [smem:$0x3FBA];
	_ =	sdelay $0x3  }
0x37: {  	[smem:$0x3FBA] =	sst s10  }
0x38: {  	s10 =	sld [smem:$0x3FBB]  }
0x39: {  	_ = 	snop;
	(pc) =	sbr.ind lr, $3  }
0x3a: {  	_ = 	snop  }
0x3b: {  	_ = 	snop  }
0x3c: {  	p2 =	seq.s32 s10, $0x1;
	s10 =	sld [smem:$0x3FBA]  }
0x3d: {  	_ =	shalt  }
0x3e: {  	_ =	shalt  }
0x3f: {  	_ =	shalt  }
0x40: {  	_ =	shalt  }
0x41: {  	_ =	shalt  }
0x42: {  	_ =	shalt  }
0x43: {  	_ =	shalt  }
0x44: {  	_ =	shalt  }
0x45: {  	_ =	shalt  }
0x46: {  	_ =	shalt  }
0x47: {  	_ =	shalt  }
0x48: {  	_ =	shalt  }
0x49: {  	_ =	shalt  }
0x4a: {  	_ =	shalt  }
0x4b: {  	_ =	shalt  }
0x4c: {  	_ =	shalt  }
0x4d: {  	_ =	shalt  }
0x4e: {  	_ =	shalt  }
0x4f: {  	_ =	shalt  }
0x50: {  	_ =	shalt  }
0x51: {  	_ =	shalt  }
0x52: {  	_ =	shalt  }
0x53: {  	_ =	shalt  }
0x54: {  	_ =	shalt  }
0x55: {  	_ =	shalt  }
0x56: {  	_ =	shalt  }
0x57: {  	_ =	shalt  }
0x58: {  	_ =	shalt  }
0x59: {  	_ =	shalt  }
0x5a: {  	_ =	shalt  }
0x5b: {  	_ =	shalt  }
0x5c: {  	_ =	shalt  }
0x5d: {  	_ =	shalt  }
0x5e: {  	_ =	shalt  }
0x5f: {  	_ =	shalt  }
0x60: {  	_ =	shalt  }
0x61: {  	_ =	shalt  }
0x62: {  	_ =	shalt  }
0x63: {  	_ =	shalt  }
0x64: {  	_ =	shalt  }
0x65: {  	_ =	shalt  }
0x66: {  	_ =	shalt  }
0x67: {  	_ =	shalt  }
0x68: {  	_ =	shalt  }
0x69: {  	_ =	shalt  }
0x6a: {  	_ =	shalt  }
0x6b: {  	_ =	shalt  }
0x6c: {  	_ =	shalt  }
0x6d: {  	_ =	shalt  }
0x6e: {  	_ =	shalt  }
0x6f: {  	_ =	shalt  }
0x70: {  	_ =	shalt  }
0x71: {  	_ =	shalt  }
0x72: {  	_ =	shalt  }
0x73: {  	_ =	shalt  }
0x74: {  	_ =	shalt  }
0x75: {  	_ =	shalt  }
0x76: {  	_ =	shalt  }
0x77: {  	_ =	shalt  }
0x78: {  	_ =	shalt  }
0x79: {  	_ =	shalt  }
0x7a: {  	_ =	shalt  }
0x7b: {  	_ =	shalt  }
0x7c: {  	_ =	shalt  }
0x7d: {  	_ =	shalt  }
0x7e: {  	_ =	shalt  }
0x7f: {  	_ =	shalt  }
0x80: {  	_ =	shalt  }
0x81: {  	_ =	shalt  }
0x82: {  	_ =	shalt  }
0x83: {  	_ =	shalt  }
0x84: {  	_ =	shalt  }
0x85: {  	_ =	shalt  }
0x86: {  	_ =	shalt  }
0x87: {  	_ =	shalt  }
.Lfunc_end0:
.L_simem_size_0:
called_computation_lowered:
.L_overlay_start_0:
0x88: {  	s2 =	sld [smem:$0x3FD9]  }
0x89: {  	s3 =	sld [smem:$0x3FFE];
	_ =	sdelay $0x1  }
0x8a: {  	s1 =	srdreg.scid  }
0x8b: {  	s0 =	sand.u32 $0x1, s1  }
0x8c: {  	s15 =	sshll.u32 s0, $0xA;
	s2 =	sadd.s32 s3, s2  }
0x8d: {  	s2 =	sadd.s32 s2, s15  }
0x8e: {  	[smem:$0x3FC6] =	sst s2  }
0x8f: {  	_ = 	snop  }
0x90: {  	s2 =	sld [smem:$0x3FD0];
	_ =	sdelay $0x2  }
0x91: {  	s4 =	simm.s32 $0xA;
	s5 =	simm.s32 $0x10;
	s16 =	sld [smem:$0x3FC8]  }
0x92: {  	[smem:s5], [sflag:s4] =	dma.local [hbm:s2], $0x1  }
0x93: {  	_ =	swait.eq [sflag:s4], $0x1  }
0x94: {  	[sflag:s4] =	ssyncset.done $0x0  }
0x95: {  	s17 =	sld [smem:$0x10];
	[sflag:s4] =	ssyncadd.s32 $0xFFFFFFFF  }
0x96: {  	s18 =	sld [smem:$0x11];
	(tm) =	ssettm $0x1  }
0x97: {  	s19 =	sld [smem:$0x3FFB];
	_ =	sdelay $0x3  }
0x98: {  	_ =	strace s19  }
0x99: {  	s5 =	sld [smem:$0x3FFC];
	_ =	sdelay $0x3  }
0x9a: {  	_ =	strace s5  }
0x9b: {  	s5 =	sld [smem:$0x3FFD];
	_ =	sdelay $0x3  }
0x9c: {  	_ =	strace s5  }
0x9d: {  	_ =	strace $0x8FFFFFFF  }
0x9e: {  	s20 =	sld [smem:$0x3FDB];
	_ =	sdelay $0x1  }
0x9f: {  	s6 =	simm.s32 $_scs_section_size  }
0xa0: {  	s7 =	simm.s32 $_size__tile_overlayer_lowered;
	s8 =	simm.s32 $_tile_overlayer_lowered  }
0xa1: {  	s23 =	simm.s32 $0x1BFF;
	s22 =	sshll.u32 s8, $0x1;
	s5 =	sadd.s32 s6, s20  }
0xa2: {  	s9 =	simm.s32 $0x0;
	s21 =	sshll.u32 s7, $0x1;
	s7 =	sadd.s32 s22, s5  }
0xa3: {  	[timem:s9], [sflag:s23] =	dma.local [hbm:s7], s21  }
0xa4: {  	_ =	swait.ge [sflag:s23], s21  }
0xa5: {  	s6 =	ssub.s32 $0x0, s21;
	[sflag:s23] =	ssyncset.done $0x0  }
0xa6: {  	[sflag:s23] =	ssyncadd.s32 s6;
	_ =	sdelay $0x1  }
0xa7: {  	s24 =	simm.s32 $0x1B8B  }
0xa8: {  	_ =	swait.ge [sflag:s24], $0x1  }
0xa9: {  	[sflag:s24] =	ssyncset.done $0x0  }
0xaa: {  	s25 =	simm.s32 $0x1B8E;
	[sflag:s24] =	ssyncadd.s32 $0xFFFFFFFF  }
0xab: {  	s26 =	simm.s32 $execute0_lowered;
	[smem:$0x3FD2] =	sst s25  }
0xac: {  	s6 =	sshll.u32 s26, $0x1;
	_ =	strace $0x80000046;
	[dreg:$0x1] =	wrdreg $0xFFFFFFFF  }
0xad: {  	s28 =	simm.s32 $_size_execute0_lowered;
	s5 =	sadd.s32 s5, s6;
	[dreg:$0x0] =	wrdreg $0x0  }
0xae: {  	s6 =	sshll.u32 s28, $0x1;
	[dreg:$0x2] =	wrdreg s5  }
0xaf: {  	[dreg:$0x3] =	wrdreg s6  }
0xb0: {  	[dreg:$0x4] =	wrdreg $0xC0  }
0xb1: {  	_ =	task [dreg:s9], $0x5FFFF  }
0xb2: {  	[dreg:$0x1] =	wrdreg $0xFFFFFFFF  }
0xb3: {  	[dreg:$0x0] =	wrdreg $0x60  }
0xb4: {  	[dreg:$0x2] =	wrdreg s16  }
0xb5: {  	[dreg:$0x3] =	wrdreg s18  }
0xb6: {  	[dreg:$0x4] =	wrdreg s17  }
0xb7: {  	[dreg:$0x5] =	wrdreg $0x9  }
0xb8: {  	_ =	task.clear_ibuf [dreg:s9], $0x6FFFF;
	_ =	strace $0x90000046  }
0xb9: {  	s29 =	simm.s32 $0x9;
	_ =	strace $0x80000048  }
0xba: {  	_ =	swait.ge [sflag:s29], $0x1  }
0xbb: {  	[sflag:s29] =	ssyncadd.s32 $0xFFFFFFFF  }
0xbc: {  	_ =	strace $0x90000048  }
0xbd: {  	_ =	sfence  }
0xbe: {  	s30 =	sld [smem:$0x0];
	_ =	sdelay $0x2  }
0xbf: {  	s31 =	sshll.u32 s1, $0xD;
	s1 =	sshrl.u32 s1, $0x2  }
0xc0: {  	s3 =	sand.u32 $0x4000, s31;
	s1 =	sadd.s32 s1, s30  }
0xc1: {  	s0 =	sor.u32 s3, s0;
	s1 =	sshll.u32 s1, $0x11  }
0xc2: {  	s0 =	sor.u32 s1, s0  }
0xc3: {  	s0 =	sadd.s32 $0x8F2B, s0  }
0xc4: {  	[sflag:s0] =	ssyncadd.remote.s32 $0x1  }
0xc5: {  	_ =	sfence.sel $0xFFFF  }
0xc6: {  	[dreg:$0x0] =	wrdreg $0xFFFFFFFF;
	(pc) =	sbr.abs _section_cstart, $3  }
0xc7: {  	[dreg:$0x1] =	wrdreg $0xFFFFFFFF  }
0xc8: {  	_ =	task.clear_ibuf [dreg:s9], $0x2FFFF;
	_ =	strace $0x9FFFFFFF  }
0xc9: {  	(tm) =	ssettm $0x7FFFFFFF  }
tec
execute0_lowered:
.L_overlay_start_1:
0x0: {  	(tag) =	ssettag $0x1  }
0x1: {  	s1 =	rddreg [dreg:$0x0]  }
0x2: {  	s5 =	rddreg [dreg:$0x1]  }
0x3: {  	s4 =	rddreg [dreg:$0x2];
	s3 =	srdreg.scid  }
0x4: {  	s0 =	rddreg [dreg:$0x3];
	s2 =	stileid.u32  }
0x5: {  	s10 =	simm.s32 $0x900;
	s11 =	simm.s32 $0x1100;
	s12 =	simm.s32 $0x1900  }
0x6: {  	s13 =	simm.s32 $0x2100;
	s14 =	simm.s32 $0x2900;
	s15 =	simm.s32 $0x3100  }
0x7: {  	s16 =	simm.s32 $0x3900;
	s17 =	simm.s32 $0x4100;
	s18 =	simm.s32 $0x4900  }
0x8: {  	s19 =	simm.s32 $0x5100;
	s20 =	simm.s32 $0x5900;
	s21 =	simm.s32 $0x6100  }
0x9: {  	s22 =	simm.s32 $0x6900;
	s23 =	simm.s32 $0x7100;
	s24 =	simm.s32 $0x7900  }
0xa: {  	s6 =	sand.u32 $0x1, s3;
	s3 =	simm.s32 $0x0;
	s8 =	sshll.u32 s2, $0x8  }
0xb: {  	s7 =	sshll.u32 s6, $0xC;
	[smem:$0x7FF] =	sst s3;
	s6 =	ssub.s32 $0x2, s6  }
0xc: {  	s7 =	sor.u32 s8, s7;
	_ =	strace $0x80000047;
	s9 =	sshrl.u32 s6, $0x1  }
0xd: {  	v2 =	vlaneseq.u32;
	s8 =	sshll.u32 s7, $0x5;
	s7 =	sshrl.u32 s7, $0x3;
	s31 =	ssub.s32 s6, s9  }
0xe: {  	vm0 =	vmmov $0xffff;
	v1 =	vshrl.u32 v2, $0x3;
	s9 =	simm.s32 $0x100;
	s4 =	sadd.s32 s4, s8;
	s5 =	sadd.s32 s5, s7  }
0xf: {  	v0 =	vand.u32 $0x7, v2;
	v2 =	vor.u32 $0x8, v2;
	v1 =	vmul.u32 $0x8, v1;
	s7 =	smax.u32 s31, $0x1;
	s8 =	simm.s32 $0x1;
	s6 =	sadd.s32 $0x1000, s4  }
.LBB2_1:
0x10: {  	[tilespmem:s3], [sflag:$0x1] =	stream.linear.gather [hbm4b:s5+s3], $0x100, $0x38;
	[tilespmem:$0x8100] =	vst v63  }
0x11: {  	_ =	swait.ge [sflag:s8], $0x100  }
0x12: {  	[sflag:s8] =	ssyncset.done $0x0  }
0x13: {  	[sflag:s8] =	ssyncadd.s32 $0xFFFFFF00  }
0x14: {  	v3 =	vld [tilespmem:$0x0];
	_ =	sdelay $0x4  }
0x15: {  	v4 =	vshll.u32 v3, $0x1  }
0x16: {  	v3 =	vand.u32 $0x7, v3;
	v4 =	vand.u32 $0xFFFFFFF0, v4  }
0x17: {  	v3 =	vor.u32 v3, v4  }
0x18: {  	v4 =	vperm.xlane v3, v0;
	_ =	sdelay $0x1  }
0x19: {  	v3 =	vperm.xlane v3, v2;
	v4 =	vadd.s32 v1, v4;
	_ =	sdelay $0x1  }
0x1a: {  	v3 =	vadd.s32 v1, v3;
	_ =	sdelay $0x2  }
0x1b: {  	[tilespmem:s9], [sflag:$0x1] =	stream.indirect_vreg.gather [hbm4b:s1+s3], $0x80, v4, vm0, $0xb8;
	[tilespmem:$0x8100] =	vst v63  }
0x1c: {  	_ = 	snop  }
0x1d: {  	[tilespmem:s10], [sflag:$0x1] =	stream.indirect_vreg.gather [hbm4b:s1+s3], $0x80, v3, vm0, $0xb8;
	[tilespmem:$0x8100] =	vst v63  }
0x1e: {  	v3 =	vld [tilespmem:$0x10];
	_ =	sdelay $0x4  }
0x1f: {  	v49 =	vshll.u32 v3, $0x1  }
0x20: {  	v3 =	vand.u32 $0x7, v3;
	v4 =	vand.u32 $0xFFFFFFF0, v49  }
0x21: {  	v3 =	vor.u32 v3, v4  }
0x22: {  	v4 =	vperm.xlane v3, v0;
	_ =	sdelay $0x1  }
0x23: {  	v3 =	vperm.xlane v3, v2;
	v4 =	vadd.s32 v1, v4;
	_ =	sdelay $0x1  }
0x24: {  	v3 =	vadd.s32 v1, v3;
	_ =	sdelay $0x2  }
0x25: {  	[tilespmem:s11], [sflag:$0x1] =	stream.indirect_vreg.gather [hbm4b:s1+s3], $0x80, v4, vm0, $0xb8;
	[tilespmem:$0x8100] =	vst v63  }
0x26: {  	_ = 	snop  }
0x27: {  	[tilespmem:s12], [sflag:$0x1] =	stream.indirect_vreg.gather [hbm4b:s1+s3], $0x80, v3, vm0, $0xb8;
	[tilespmem:$0x8100] =	vst v63  }
0x28: {  	v3 =	vld [tilespmem:$0x20];
	_ =	sdelay $0x4  }
0x29: {  	v50 =	vshll.u32 v3, $0x1  }
0x2a: {  	v3 =	vand.u32 $0x7, v3;
	v4 =	vand.u32 $0xFFFFFFF0, v50  }
0x2b: {  	v3 =	vor.u32 v3, v4  }
0x2c: {  	v4 =	vperm.xlane v3, v0;
	_ =	sdelay $0x1  }
0x2d: {  	v3 =	vperm.xlane v3, v2;
	v4 =	vadd.s32 v1, v4;
	_ =	sdelay $0x1  }
0x2e: {  	v3 =	vadd.s32 v1, v3;
	_ =	sdelay $0x2  }
0x2f: {  	[tilespmem:s13], [sflag:$0x1] =	stream.indirect_vreg.gather [hbm4b:s1+s3], $0x80, v4, vm0, $0xb8;
	[tilespmem:$0x8100] =	vst v63  }
0x30: {  	_ = 	snop  }
0x31: {  	[tilespmem:s14], [sflag:$0x1] =	stream.indirect_vreg.gather [hbm4b:s1+s3], $0x80, v3, vm0, $0xb8;
	[tilespmem:$0x8100] =	vst v63  }
0x32: {  	v3 =	vld [tilespmem:$0x30];
	_ =	sdelay $0x4  }
0x33: {  	v51 =	vshll.u32 v3, $0x1  }
0x34: {  	v3 =	vand.u32 $0x7, v3;
	v4 =	vand.u32 $0xFFFFFFF0, v51  }
0x35: {  	v3 =	vor.u32 v3, v4  }
0x36: {  	v4 =	vperm.xlane v3, v0;
	_ =	sdelay $0x1  }
0x37: {  	v3 =	vperm.xlane v3, v2;
	v4 =	vadd.s32 v1, v4;
	_ =	sdelay $0x1  }
0x38: {  	v3 =	vadd.s32 v1, v3;
	_ =	sdelay $0x2  }
0x39: {  	[tilespmem:s15], [sflag:$0x1] =	stream.indirect_vreg.gather [hbm4b:s1+s3], $0x80, v4, vm0, $0xb8;
	[tilespmem:$0x8100] =	vst v63  }
0x3a: {  	_ = 	snop  }
0x3b: {  	[tilespmem:s16], [sflag:$0x1] =	stream.indirect_vreg.gather [hbm4b:s1+s3], $0x80, v3, vm0, $0xb8;
	[tilespmem:$0x8100] =	vst v63  }
0x3c: {  	v3 =	vld [tilespmem:$0x40];
	_ =	sdelay $0x4  }
0x3d: {  	v52 =	vshll.u32 v3, $0x1  }
0x3e: {  	v3 =	vand.u32 $0x7, v3;
	v4 =	vand.u32 $0xFFFFFFF0, v52  }
0x3f: {  	v3 =	vor.u32 v3, v4  }
0x40: {  	v4 =	vperm.xlane v3, v0;
	_ =	sdelay $0x1  }
0x41: {  	v3 =	vperm.xlane v3, v2;
	v4 =	vadd.s32 v1, v4;
	_ =	sdelay $0x1  }
0x42: {  	v3 =	vadd.s32 v1, v3;
	_ =	sdelay $0x2  }
0x43: {  	[tilespmem:s17], [sflag:$0x1] =	stream.indirect_vreg.gather [hbm4b:s1+s3], $0x80, v4, vm0, $0xb8;
	[tilespmem:$0x8100] =	vst v63  }
0x44: {  	_ = 	snop  }
0x45: {  	[tilespmem:s18], [sflag:$0x1] =	stream.indirect_vreg.gather [hbm4b:s1+s3], $0x80, v3, vm0, $0xb8;
	[tilespmem:$0x8100] =	vst v63  }
0x46: {  	v3 =	vld [tilespmem:$0x50];
	_ =	sdelay $0x4  }
0x47: {  	v53 =	vshll.u32 v3, $0x1  }
0x48: {  	v3 =	vand.u32 $0x7, v3;
	v4 =	vand.u32 $0xFFFFFFF0, v53  }
0x49: {  	v3 =	vor.u32 v3, v4  }
0x4a: {  	v4 =	vperm.xlane v3, v0;
	_ =	sdelay $0x1  }
0x4b: {  	v3 =	vperm.xlane v3, v2;
	v4 =	vadd.s32 v1, v4;
	_ =	sdelay $0x1  }
0x4c: {  	v3 =	vadd.s32 v1, v3;
	_ =	sdelay $0x2  }
0x4d: {  	[tilespmem:s19], [sflag:$0x1] =	stream.indirect_vreg.gather [hbm4b:s1+s3], $0x80, v4, vm0, $0xb8;
	[tilespmem:$0x8100] =	vst v63  }
0x4e: {  	_ = 	snop  }
0x4f: {  	[tilespmem:s20], [sflag:$0x1] =	stream.indirect_vreg.gather [hbm4b:s1+s3], $0x80, v3, vm0, $0xb8;
	[tilespmem:$0x8100] =	vst v63  }
0x50: {  	v3 =	vld [tilespmem:$0x60];
	_ =	sdelay $0x4  }
0x51: {  	v54 =	vshll.u32 v3, $0x1  }
0x52: {  	v3 =	vand.u32 $0x7, v3;
	v4 =	vand.u32 $0xFFFFFFF0, v54  }
0x53: {  	v3 =	vor.u32 v3, v4  }
0x54: {  	v4 =	vperm.xlane v3, v0;
	_ =	sdelay $0x1  }
0x55: {  	v3 =	vperm.xlane v3, v2;
	v4 =	vadd.s32 v1, v4;
	_ =	sdelay $0x1  }
0x56: {  	v3 =	vadd.s32 v1, v3;
	_ =	sdelay $0x2  }
0x57: {  	[tilespmem:s21], [sflag:$0x1] =	stream.indirect_vreg.gather [hbm4b:s1+s3], $0x80, v4, vm0, $0xb8;
	[tilespmem:$0x8100] =	vst v63  }
0x58: {  	_ = 	snop  }
0x59: {  	[tilespmem:s22], [sflag:$0x1] =	stream.indirect_vreg.gather [hbm4b:s1+s3], $0x80, v3, vm0, $0xb8;
	[tilespmem:$0x8100] =	vst v63  }
0x5a: {  	v3 =	vld [tilespmem:$0x70];
	_ =	sdelay $0x4  }
0x5b: {  	v55 =	vshll.u32 v3, $0x1  }
0x5c: {  	v3 =	vand.u32 $0x7, v3;
	v4 =	vand.u32 $0xFFFFFFF0, v55  }
0x5d: {  	v3 =	vor.u32 v3, v4  }
0x5e: {  	v4 =	vperm.xlane v3, v0;
	_ =	sdelay $0x1  }
0x5f: {  	v3 =	vperm.xlane v3, v2;
	v4 =	vadd.s32 v1, v4;
	_ =	sdelay $0x1  }
0x60: {  	v3 =	vadd.s32 v1, v3;
	_ =	sdelay $0x2  }
0x61: {  	[tilespmem:s23], [sflag:$0x1] =	stream.indirect_vreg.gather [hbm4b:s1+s3], $0x80, v4, vm0, $0xb8;
	[tilespmem:$0x8100] =	vst v63  }
0x62: {  	_ = 	snop  }
0x63: {  	[tilespmem:s24], [sflag:$0x1] =	stream.indirect_vreg.gather [hbm4b:s1+s3], $0x80, v3, vm0, $0xb8;
	[tilespmem:$0x8100] =	vst v63  }
0x64: {  	_ =	swait.ge [sflag:s8], $0x8000  }
0x65: {  	[sflag:s8] =	ssyncset.done $0x0  }
0x66: {  	[sflag:s8] =	ssyncadd.s32 $0xFFFF8000  }
0x67: {  	[hbm4b:s4+s3] =	stream.linear.scatter [tilespmem:s9], [sflag:$0x1], $0x8000, $0x38;
	[tilespmem:$0x8100] =	vst v63  }
0x68: {  	_ =	swait.ge [sflag:s8], $0x8000  }
0x69: {  	[sflag:s8] =	ssyncset.done $0x0  }
0x6a: {  	[sflag:s8] =	ssyncadd.s32 $0xFFFF8000  }
0x6b: {  	v3 =	vld [tilespmem:$0x80];
	_ =	sdelay $0x4  }
0x6c: {  	v56 =	vshll.u32 v3, $0x1  }
0x6d: {  	v3 =	vand.u32 $0x7, v3;
	v4 =	vand.u32 $0xFFFFFFF0, v56  }
0x6e: {  	v3 =	vor.u32 v3, v4  }
0x6f: {  	v4 =	vperm.xlane v3, v0;
	_ =	sdelay $0x1  }
0x70: {  	v3 =	vperm.xlane v3, v2;
	v4 =	vadd.s32 v1, v4;
	_ =	sdelay $0x1  }
0x71: {  	v3 =	vadd.s32 v1, v3;
	_ =	sdelay $0x2  }
0x72: {  	[tilespmem:s9], [sflag:$0x1] =	stream.indirect_vreg.gather [hbm4b:s1+s3], $0x80, v4, vm0, $0xb8;
	[tilespmem:$0x8100] =	vst v63  }
0x73: {  	_ = 	snop  }
0x74: {  	[tilespmem:s10], [sflag:$0x1] =	stream.indirect_vreg.gather [hbm4b:s1+s3], $0x80, v3, vm0, $0xb8;
	[tilespmem:$0x8100] =	vst v63  }
0x75: {  	v3 =	vld [tilespmem:$0x90];
	_ =	sdelay $0x4  }
0x76: {  	v57 =	vshll.u32 v3, $0x1  }
0x77: {  	v3 =	vand.u32 $0x7, v3;
	v4 =	vand.u32 $0xFFFFFFF0, v57  }
0x78: {  	v3 =	vor.u32 v3, v4  }
0x79: {  	v4 =	vperm.xlane v3, v0;
	_ =	sdelay $0x1  }
0x7a: {  	v3 =	vperm.xlane v3, v2;
	v4 =	vadd.s32 v1, v4;
	_ =	sdelay $0x1  }
0x7b: {  	v3 =	vadd.s32 v1, v3;
	_ =	sdelay $0x2  }
0x7c: {  	[tilespmem:s11], [sflag:$0x1] =	stream.indirect_vreg.gather [hbm4b:s1+s3], $0x80, v4, vm0, $0xb8;
	[tilespmem:$0x8100] =	vst v63  }
0x7d: {  	_ = 	snop  }
0x7e: {  	[tilespmem:s12], [sflag:$0x1] =	stream.indirect_vreg.gather [hbm4b:s1+s3], $0x80, v3, vm0, $0xb8;
	[tilespmem:$0x8100] =	vst v63  }
0x7f: {  	v3 =	vld [tilespmem:$0xA0];
	_ =	sdelay $0x4  }
0x80: {  	v58 =	vshll.u32 v3, $0x1  }
0x81: {  	v3 =	vand.u32 $0x7, v3;
	v4 =	vand.u32 $0xFFFFFFF0, v58  }
0x82: {  	v3 =	vor.u32 v3, v4  }
0x83: {  	v4 =	vperm.xlane v3, v0;
	_ =	sdelay $0x1  }
0x84: {  	v3 =	vperm.xlane v3, v2;
	v4 =	vadd.s32 v1, v4;
	_ =	sdelay $0x1  }
0x85: {  	v3 =	vadd.s32 v1, v3;
	_ =	sdelay $0x2  }
0x86: {  	[tilespmem:s13], [sflag:$0x1] =	stream.indirect_vreg.gather [hbm4b:s1+s3], $0x80, v4, vm0, $0xb8;
	[tilespmem:$0x8100] =	vst v63  }
0x87: {  	_ = 	snop  }
0x88: {  	[tilespmem:s14], [sflag:$0x1] =	stream.indirect_vreg.gather [hbm4b:s1+s3], $0x80, v3, vm0, $0xb8;
	[tilespmem:$0x8100] =	vst v63  }
0x89: {  	v3 =	vld [tilespmem:$0xB0];
	_ =	sdelay $0x4  }
0x8a: {  	v59 =	vshll.u32 v3, $0x1  }
0x8b: {  	v3 =	vand.u32 $0x7, v3;
	v4 =	vand.u32 $0xFFFFFFF0, v59  }
0x8c: {  	v3 =	vor.u32 v3, v4  }
0x8d: {  	v4 =	vperm.xlane v3, v0;
	_ =	sdelay $0x1  }
0x8e: {  	v3 =	vperm.xlane v3, v2;
	v4 =	vadd.s32 v1, v4;
	_ =	sdelay $0x1  }
0x8f: {  	v3 =	vadd.s32 v1, v3;
	_ =	sdelay $0x2  }
0x90: {  	[tilespmem:s15], [sflag:$0x1] =	stream.indirect_vreg.gather [hbm4b:s1+s3], $0x80, v4, vm0, $0xb8;
	[tilespmem:$0x8100] =	vst v63  }
0x91: {  	_ = 	snop  }
0x92: {  	[tilespmem:s16], [sflag:$0x1] =	stream.indirect_vreg.gather [hbm4b:s1+s3], $0x80, v3, vm0, $0xb8;
	[tilespmem:$0x8100] =	vst v63  }
0x93: {  	v3 =	vld [tilespmem:$0xC0];
	_ =	sdelay $0x4  }
0x94: {  	v60 =	vshll.u32 v3, $0x1  }
0x95: {  	v3 =	vand.u32 $0x7, v3;
	v4 =	vand.u32 $0xFFFFFFF0, v60  }
0x96: {  	v3 =	vor.u32 v3, v4  }
0x97: {  	v4 =	vperm.xlane v3, v0;
	_ =	sdelay $0x1  }
0x98: {  	v3 =	vperm.xlane v3, v2;
	v4 =	vadd.s32 v1, v4;
	_ =	sdelay $0x1  }
0x99: {  	v3 =	vadd.s32 v1, v3;
	_ =	sdelay $0x2  }
0x9a: {  	[tilespmem:s17], [sflag:$0x1] =	stream.indirect_vreg.gather [hbm4b:s1+s3], $0x80, v4, vm0, $0xb8;
	[tilespmem:$0x8100] =	vst v63  }
0x9b: {  	_ = 	snop  }
0x9c: {  	[tilespmem:s18], [sflag:$0x1] =	stream.indirect_vreg.gather [hbm4b:s1+s3], $0x80, v3, vm0, $0xb8;
	[tilespmem:$0x8100] =	vst v63  }
0x9d: {  	v3 =	vld [tilespmem:$0xD0];
	_ =	sdelay $0x4  }
0x9e: {  	v61 =	vshll.u32 v3, $0x1  }
0x9f: {  	v3 =	vand.u32 $0x7, v3;
	v4 =	vand.u32 $0xFFFFFFF0, v61  }
0xa0: {  	v3 =	vor.u32 v3, v4  }
0xa1: {  	v4 =	vperm.xlane v3, v0;
	_ =	sdelay $0x1  }
0xa2: {  	v3 =	vperm.xlane v3, v2;
	v4 =	vadd.s32 v1, v4;
	_ =	sdelay $0x1  }
0xa3: {  	v3 =	vadd.s32 v1, v3;
	_ =	sdelay $0x2  }
0xa4: {  	[tilespmem:s19], [sflag:$0x1] =	stream.indirect_vreg.gather [hbm4b:s1+s3], $0x80, v4, vm0, $0xb8;
	[tilespmem:$0x8100] =	vst v63  }
0xa5: {  	_ = 	snop  }
0xa6: {  	[tilespmem:s20], [sflag:$0x1] =	stream.indirect_vreg.gather [hbm4b:s1+s3], $0x80, v3, vm0, $0xb8;
	[tilespmem:$0x8100] =	vst v63  }
0xa7: {  	v3 =	vld [tilespmem:$0xE0];
	_ =	sdelay $0x4  }
0xa8: {  	v62 =	vshll.u32 v3, $0x1  }
0xa9: {  	v3 =	vand.u32 $0x7, v3;
	v4 =	vand.u32 $0xFFFFFFF0, v62  }
0xaa: {  	v3 =	vor.u32 v3, v4  }
0xab: {  	v4 =	vperm.xlane v3, v0;
	_ =	sdelay $0x1  }
0xac: {  	v3 =	vperm.xlane v3, v2;
	v4 =	vadd.s32 v1, v4;
	_ =	sdelay $0x1  }
0xad: {  	v3 =	vadd.s32 v1, v3;
	_ =	sdelay $0x2  }
0xae: {  	[tilespmem:s21], [sflag:$0x1] =	stream.indirect_vreg.gather [hbm4b:s1+s3], $0x80, v4, vm0, $0xb8;
	[tilespmem:$0x8100] =	vst v63  }
0xaf: {  	_ = 	snop  }
0xb0: {  	[tilespmem:s22], [sflag:$0x1] =	stream.indirect_vreg.gather [hbm4b:s1+s3], $0x80, v3, vm0, $0xb8;
	[tilespmem:$0x8100] =	vst v63  }
0xb1: {  	v3 =	vld [tilespmem:$0xF0];
	_ =	sdelay $0x4  }
0xb2: {  	v63 =	vshll.u32 v3, $0x1  }
0xb3: {  	v3 =	vand.u32 $0x7, v3;
	v4 =	vand.u32 $0xFFFFFFF0, v63  }
0xb4: {  	v3 =	vor.u32 v3, v4  }
0xb5: {  	v4 =	vperm.xlane v3, v0;
	_ =	sdelay $0x1  }
0xb6: {  	v3 =	vperm.xlane v3, v2;
	v4 =	vadd.s32 v1, v4;
	_ =	sdelay $0x1  }
0xb7: {  	v3 =	vadd.s32 v1, v3;
	_ =	sdelay $0x2  }
0xb8: {  	[tilespmem:s23], [sflag:$0x1] =	stream.indirect_vreg.gather [hbm4b:s1+s3], $0x80, v4, vm0, $0xb8;
	[tilespmem:$0x8100] =	vst v63  }
0xb9: {  	_ = 	snop  }
0xba: {  	[tilespmem:s24], [sflag:$0x1] =	stream.indirect_vreg.gather [hbm4b:s1+s3], $0x80, v3, vm0, $0xb8;
	[tilespmem:$0x8100] =	vst v63  }
0xbb: {  	_ =	swait.ge [sflag:s8], $0x8000  }
0xbc: {  	p0 =	sne.s32 s7, $0x1;
	[sflag:s8] =	ssyncset.done $0x0  }
.Ltmp0:
0xbd: {  	[sflag:s8] =	ssyncadd.s32 $0xFFFF8000;
	(pc) =	sbr.rel @p0 .LBB2_1-.Ltmp0, $4  }
0xbe: {  	[hbm4b:s6+s3] =	stream.linear.scatter [tilespmem:s9], [sflag:$0x1], $0x8000, $0x38;
	[tilespmem:$0x8100] =	vst v63  }
0xbf: {  	_ =	swait.ge [sflag:s8], $0x8000  }
0xc0: {  	[sflag:s8] =	ssyncset.done $0x0  }
0xc1: {  	s7 =	sadd.s32 $0xFFFFFFFF, s7;
	[sflag:s8] =	ssyncadd.s32 $0xFFFF8000  }
0xc2: {  	_ =	sfence.sel $0x180000  }
0xc3: {  	[bflag:$0x0] =	sbarrier.arrive $0xFFFF  }
0xc4: {  	p0 =	sne.s32 s2, $0x0;
	_ =	strace $0x90000047  }
0xc5: {  	s0 =	sadd.s32 @!p0 $0x100000, s0;
	[bflag:$0x2] =	sbarrier.arrive $0xFFFF  }
0xc6: {  	[sflag:s0] =	ssyncadd.tile.s32 @!p0 $0x1;
	_ =	shalt  }
.Lfunc_end2:
_tile_overlayer_lowered:
.L_overlay_start_2:
0xc7: {  	(tag) =	ssettag $0x2  }
0xc8: {  	s0 =	rddreg [dreg:$0x0];
	s2 =	stileid.u32  }
0xc9: {  	s1 =	rddreg [dreg:$0x1];
	p0 =	sne.s32 s2, $0x0  }
0xca: {  	s3 =	rddreg [dreg:$0x2];
	[bflag:$0x3] =	sbarrier.arrive $0xFFFF;
	s2 =	simm.s32 @!p0 $0x1C01  }
0xcb: {  	[timem:s3], [sflag:s2] =	dma.local @!p0 [hbm:s0], s1  }
0xcc: {  	s0 =	simm.s32 @!p0 $0x1  }
0xcd: {  	_ =	swait.ge @!p0 [sflag:s0], s1  }
0xce: {  	s1 =	ssub.s32 @!p0 $0x0, s1;
	[sflag:s0] =	ssyncset.done @!p0 $0x0  }
0xcf: {  	[sflag:s0] =	ssyncadd.s32 @!p0 s1  }
0xd0: {  	[bflag:$0x3] =	sbarrier.arrive $0xFFFF  }
0xd1: {  	_ =	shalt  }

</sc_bundles>
